<compile_context>
chip_gen: v7x
topology: tpu7x:2x2x1
jax: 0.10.2.dev20260603
libtpu: 0.0.44.dev20260713+nightly
codegen_flags: <defaults>
</compile_context>

<pallas_src>
import functools

import jax
import jax.numpy as jnp
from jax import lax
from jax.experimental import pallas as pl
from jax.experimental.pallas import tpu as pltpu
from jax.experimental.pallas import tpu_sc as plsc

VOCAB = 1000000
EMBED_DIM = 32
BATCH = 16384
HIST = 50
N_IDX = BATCH * HIST
NC, NS = 2, 16
NW = NC * NS
PER_TILE = N_IDX // NW
ROWS = 128
N_GATHER = PER_TILE // ROWS
N_PAIR = N_GATHER // 2
N_STAGE = 8
STAGE_SZ = VOCAB // N_STAGE


BLKL = 65536


def _mv_body(w_ref, t_ref, o_ref):
    o_ref[...] = jnp.dot(w_ref[...], t_ref[...],
                         preferred_element_type=jnp.float32)[0]


_matvec = pl.pallas_call(
    _mv_body,
    grid=(pl.cdiv(VOCAB, BLKL),),
    in_specs=[
        pl.BlockSpec((1, EMBED_DIM), lambda i: (0, 0)),
        pl.BlockSpec((EMBED_DIM, BLKL), lambda i: (0, i)),
    ],
    out_specs=pl.BlockSpec((BLKL,), lambda i: (i,)),
    out_shape=jax.ShapeDtypeStruct((VOCAB,), jnp.float32),
)


_mesh = plsc.VectorSubcoreMesh(
    core_axis_name="c", subcore_axis_name="s", num_cores=NC, num_subcores=NS
)


@functools.partial(
    pl.kernel,
    out_type=jax.ShapeDtypeStruct((NW, 16), jnp.float32),
    mesh=_mesh,
    compiler_params=pltpu.CompilerParams(use_tc_tiling_on_sc=False),
    scratch_types=[
        pltpu.VMEM((PER_TILE,), jnp.int32),
        pltpu.VMEM((ROWS,), jnp.float32),
        pltpu.VMEM((ROWS,), jnp.float32),
        pltpu.VMEM((16,), jnp.float32),
        pltpu.VMEM_SHARED((VOCAB,), jnp.float32),
        pltpu.SemaphoreType.DMA,
        pltpu.SemaphoreType.DMA,
    ],
)
def _gather_reduce(idx_hbm, s_hbm, out_hbm,
                   idx_v, buf0, buf1, out_v, s_sh, sem0, sem1):
    wid = lax.axis_index("s") * NC + lax.axis_index("c")
    sid = lax.axis_index("s")
    pltpu.sync_copy(idx_hbm.at[pl.ds(wid * PER_TILE, PER_TILE)], idx_v)

    @pl.when(sid < N_STAGE)
    def _stage():
        off = sid * STAGE_SZ
        pltpu.sync_copy(s_hbm.at[pl.ds(off, STAGE_SZ)],
                        s_sh.at[pl.ds(off, STAGE_SZ)])

    plsc.subcore_barrier()

    zero = jnp.zeros((16,), jnp.float32)

    def clear(i, _):
        buf0[pl.ds(16 * i, 16)] = zero
        buf1[pl.ds(16 * i, 16)] = zero
        return 0

    lax.fori_loop(0, ROWS // 16, clear, 0)

    def chunk(g):
        return idx_v.at[pl.ds(g * ROWS, ROWS)]

    def wait(buf, sem):
        pltpu.make_async_copy(s_sh.at[chunk(0)], buf, sem).wait()

    pltpu.async_copy(s_sh.at[chunk(0)], buf0, sem0, add=True)
    pltpu.async_copy(s_sh.at[chunk(1)], buf1, sem1, add=True)

    def pair(t, carry):
        g = 2 * t + 2
        wait(buf0, sem0)
        pltpu.async_copy(s_sh.at[chunk(g)], buf0, sem0, add=True)
        wait(buf1, sem1)
        pltpu.async_copy(s_sh.at[chunk(g + 1)], buf1, sem1, add=True)
        return carry

    lax.fori_loop(0, N_PAIR - 1, pair, 0)
    wait(buf0, sem0)
    wait(buf1, sem1)

    def accum(buf, acc):
        def body(i, a):
            return a + buf[pl.ds(16 * i, 16)]
        return lax.fori_loop(0, ROWS // 16, body, acc, unroll=8)

    acc = accum(buf0, zero)
    acc = accum(buf1, acc)

    out_v[...] = acc
    pltpu.sync_copy(out_v, out_hbm.at[wid])


def kernel(x, table, W, b):
    s = _matvec(W, table.T)
    idx = x.T.reshape(N_IDX)
    partials = _gather_reduce(idx, s)
    return jnp.sum(partials) / jnp.float32(N_IDX) + b[0]

# --- scband reference (transcript-rebuilt; emitter-appended) ---
"""Pipeline reference for scband-test-embedding-61813169324052 (READ-ONLY COPY).

The authoritative reference and input builder live on the scoring server;
editing this copy changes nothing except your own understanding.
"""

import jax, jax.numpy as jnp
import numpy as np

VOCAB = 1000000
EMBED_DIM = 32
BATCH = 16384
HIST = 50

def setup_inputs(seed: int = 0) -> dict:
    key = jax.random.key(seed)
    k1, k2, k3, k4 = jax.random.split(key, 4)
    x = jax.random.randint(k1, (BATCH, HIST), 0, VOCAB, dtype=jnp.int64) if jax.config.jax_enable_x64 else jax.random.randint(k1, (BATCH, HIST), 0, VOCAB, dtype=jnp.int32)
    table = jax.random.normal(k2, (VOCAB, EMBED_DIM), dtype=jnp.float32)
    # torch.nn.Linear(embed_dim, 1): weight [1, embed_dim], bias [1]
    bound = 1.0 / np.sqrt(EMBED_DIM)
    W = jax.random.uniform(k3, (1, EMBED_DIM), dtype=jnp.float32, minval=-bound, maxval=bound)
    b = jax.random.uniform(k4, (1,), dtype=jnp.float32, minval=-bound, maxval=bound)
    return {"x": x, "table": table, "W": W, "b": b}

def reference(x, table, W, b):
    # embedding lookup (gather)
    emb = jnp.take(table, x, axis=0)            # [B, L, D]
    # linear: emb @ W.T + b -> [B, L, 1]
    out = jnp.einsum('bld,od->blo', emb, W) + b
    # global mean
    return jnp.mean(out)

if __name__ == "__main__":
    import jax
    _d = setup_inputs()
    print(jax.jit(kernel)(*tuple(_d.values())))

</pallas_src>

<mosaic_0001>
#map = affine_map<(d0, d1) -> (0)>
#map1 = affine_map<(d0, d1) -> (0, 0)>
module attributes {stable_mosaic.version = 14 : i64} {
  func.func @_gather_reduce(%arg0: i32, %arg1: i32, %arg2: memref<819200xi32, #tpu.memory_space<hbm>>, %arg3: memref<1000000xf32, #tpu.memory_space<hbm>>, %arg4: memref<32x16xf32, #tpu.memory_space<hbm>>, %arg5: memref<25600xi32, #tpu.memory_space<vmem>>, %arg6: memref<128xf32, #tpu.memory_space<vmem>>, %arg7: memref<128xf32, #tpu.memory_space<vmem>>, %arg8: memref<16xf32, #tpu.memory_space<vmem>>, %arg9: memref<1000000xf32, #tpu.memory_space<vmem_shared>>, %arg10: memref<!tpu.dma_semaphore, #tpu.memory_space<semaphore_mem>>, %arg11: memref<!tpu.dma_semaphore, #tpu.memory_space<semaphore_mem>>) attributes {dimension_semantics = [#tpu.dimension_semantics<core_parallel>, #tpu.dimension_semantics<subcore_parallel>], iteration_bounds = array<i64: 2, 16>, scalar_prefetch = 0 : i64, scratch_operands = 7 : i64, tpu.core_type = #tpu.core_type<sc_vector_subcore>, window_params = [{transform_indices = #map}, {transform_indices = #map}, {transform_indices = #map1}]} {
    %mul3A = arith.constant 2 : i32
    %mul3A_0 = arith.muli %arg1, %mul3A : i32
    %add3A = arith.addi %mul3A_0, %arg0 : i32
    %mul3A_1 = arith.constant 25600 : i32
    %mul3A_2 = arith.muli %add3A, %mul3A_1 : i32
    "tpu.region"() ({
      %run_scoped3A = tpu.sem_alloc : memref<!tpu.dma_semaphore, #tpu.memory_space<semaphore_mem>>
      %dma_start3A_148 = tpu.memref_slice %arg2[%mul3A_2] : memref<819200xi32, #tpu.memory_space<hbm>> -> memref<25600xi32, #tpu.memory_space<hbm>>
      %dma_start3A_149 = tpu.memref_slice %arg2[%mul3A_2] : memref<819200xi32, #tpu.memory_space<hbm>> -> memref<25600xi32, #tpu.memory_space<hbm>>
      tpu.enqueue_dma source(%dma_start3A_149 : memref<25600xi32, #tpu.memory_space<hbm>>) target(%arg5 : memref<25600xi32, #tpu.memory_space<vmem>>) target_semaphore(%run_scoped3A : memref<!tpu.dma_semaphore, #tpu.memory_space<semaphore_mem>>)
      %dma_wait3A_150 = tpu.memref_slice %arg2[%mul3A_2] : memref<819200xi32, #tpu.memory_space<hbm>> -> memref<25600xi32, #tpu.memory_space<hbm>>
      %dma_wait3A_151 = tpu.memref_slice %arg2[%mul3A_2] : memref<819200xi32, #tpu.memory_space<hbm>> -> memref<25600xi32, #tpu.memory_space<hbm>>
      tpu.wait_dma2 semaphore(%run_scoped3A : memref<!tpu.dma_semaphore, #tpu.memory_space<semaphore_mem>>) src(%dma_wait3A_151 : memref<25600xi32, #tpu.memory_space<hbm>>) dst(%arg5 : memref<25600xi32, #tpu.memory_space<vmem>>)
      tpu.yield
    }) : () -> ()
    %lt3A = arith.constant 8 : i32
    %lt3A_3 = arith.cmpi slt, %arg1, %lt3A : i32
    %convert_element_type3A = arith.extui %lt3A_3 : i1 to i32
    %cond3A = arith.constant 0 : i32
    %cond3A_4 = arith.cmpi ne, %convert_element_type3A, %cond3A : i32
    scf.if %cond3A_4 {
      %mul3A_148 = arith.constant 125000 : i32
      %mul3A_149 = arith.muli %arg1, %mul3A_148 : i32
      "tpu.region"() ({
        %run_scoped3A = tpu.sem_alloc : memref<!tpu.dma_semaphore, #tpu.memory_space<semaphore_mem>>
        %dma_start3A_150 = tpu.memref_slice %arg9[%mul3A_149] : memref<1000000xf32, #tpu.memory_space<vmem_shared>> -> memref<125000xf32, #tpu.memory_space<vmem_shared>>
        %dma_start3A_151 = tpu.memref_slice %arg3[%mul3A_149] : memref<1000000xf32, #tpu.memory_space<hbm>> -> memref<125000xf32, #tpu.memory_space<hbm>>
        tpu.enqueue_dma source(%dma_start3A_151 : memref<125000xf32, #tpu.memory_space<hbm>>) target(%dma_start3A_150 : memref<125000xf32, #tpu.memory_space<vmem_shared>>) target_semaphore(%run_scoped3A : memref<!tpu.dma_semaphore, #tpu.memory_space<semaphore_mem>>)
        %dma_wait3A_152 = tpu.memref_slice %arg9[%mul3A_149] : memref<1000000xf32, #tpu.memory_space<vmem_shared>> -> memref<125000xf32, #tpu.memory_space<vmem_shared>>
        %dma_wait3A_153 = tpu.memref_slice %arg3[%mul3A_149] : memref<1000000xf32, #tpu.memory_space<hbm>> -> memref<125000xf32, #tpu.memory_space<hbm>>
        tpu.wait_dma2 semaphore(%run_scoped3A : memref<!tpu.dma_semaphore, #tpu.memory_space<semaphore_mem>>) src(%dma_wait3A_153 : memref<125000xf32, #tpu.memory_space<hbm>>) dst(%dma_wait3A_152 : memref<125000xf32, #tpu.memory_space<vmem_shared>>)
        tpu.yield
      }) : () -> ()
    } else {
    }
    %barrier3A = arith.constant 0 : index
    tpu.barrier barrier_id(%barrier3A)
    %broadcast_in_dim3A = arith.constant 0.000000e+00 : f32
    %broadcast_in_dim3A_5 = vector.broadcast %broadcast_in_dim3A : f32 to vector<16xf32>
    %scan3A = arith.constant 0 : i32
    %scan3A_6 = arith.constant 0 : i32
    %scan3A_7 = arith.constant 8 : i32
    %scan3A_8 = arith.addi %scan3A_6, %scan3A_7 : i32
    %scan3A_9 = arith.constant 1 : i32
    %scan3A_10 = scf.for %scan3A_148 = %scan3A_6 to %scan3A_8 step %scan3A_9 iter_args(%scan3A_149 = %scan3A) -> (i32)  : i32 {
      %mul3A_150 = arith.constant 16 : i32
      %mul3A_151 = arith.muli %mul3A_150, %scan3A_148 : i32
      %swap3A_152 = arith.index_cast %mul3A_151 : i32 to index
      %swap3A_153 = tpu.vector_load %arg6[%swap3A_152] {strides = array<i32>} : memref<128xf32, #tpu.memory_space<vmem>>, vector<16xf32>,
      %swap3A_154 = vector.shape_cast %swap3A_153 : vector<16xf32> to vector<16xf32>
      %swap3A_155 = vector.shape_cast %broadcast_in_dim3A_5 : vector<16xf32> to vector<16xf32>
      tpu.vector_store %arg6[%swap3A_152], %swap3A_155 {strides = array<i32>} : memref<128xf32, #tpu.memory_space<vmem>>, vector<16xf32>,
      %mul3A_156 = arith.constant 16 : i32
      %mul3A_157 = arith.muli %mul3A_156, %scan3A_148 : i32
      %swap3A_158 = arith.index_cast %mul3A_157 : i32 to index
      %swap3A_159 = tpu.vector_load %arg7[%swap3A_158] {strides = array<i32>} : memref<128xf32, #tpu.memory_space<vmem>>, vector<16xf32>,
      %swap3A_160 = vector.shape_cast %swap3A_159 : vector<16xf32> to vector<16xf32>
      %swap3A_161 = vector.shape_cast %broadcast_in_dim3A_5 : vector<16xf32> to vector<16xf32>
      tpu.vector_store %arg7[%swap3A_158], %swap3A_161 {strides = array<i32>} : memref<128xf32, #tpu.memory_space<vmem>>, vector<16xf32>,
      %scan3A_162 = arith.constant 0 : i32
      scf.yield %scan3A_162 : i32
    }
    %scan3A_11 = arith.constant 8 : i32
    %dma_start3A = arith.constant 0 : i32
    %dma_start3A_12 = tpu.memref_slice %arg5[%dma_start3A] : memref<25600xi32, #tpu.memory_space<vmem>> -> memref<128xi32, #tpu.memory_space<vmem>>
    %dma_start3A_13 = arith.constant 0 : i32
    %dma_start3A_14 = tpu.memref_slice %arg9[%dma_start3A_13] : memref<1000000xf32, #tpu.memory_space<vmem_shared>> -> memref<1000000xf32, #tpu.memory_space<vmem_shared>>
    tpu.enqueue_indirect_dma source(%dma_start3A_14 : memref<1000000xf32, #tpu.memory_space<vmem_shared>>) target(%arg6 : memref<128xf32, #tpu.memory_space<vmem>>) offsets(%dma_start3A_12 : memref<128xi32, #tpu.memory_space<vmem>>) semaphore(%arg10 : memref<!tpu.dma_semaphore, #tpu.memory_space<semaphore_mem>>) {add = true}
    %dma_start3A_15 = arith.constant 128 : i32
    %dma_start3A_16 = tpu.memref_slice %arg5[%dma_start3A_15] : memref<25600xi32, #tpu.memory_space<vmem>> -> memref<128xi32, #tpu.memory_space<vmem>>
    %dma_start3A_17 = arith.constant 0 : i32
    %dma_start3A_18 = tpu.memref_slice %arg9[%dma_start3A_17] : memref<1000000xf32, #tpu.memory_space<vmem_shared>> -> memref<1000000xf32, #tpu.memory_space<vmem_shared>>
    tpu.enqueue_indirect_dma source(%dma_start3A_18 : memref<1000000xf32, #tpu.memory_space<vmem_shared>>) target(%arg7 : memref<128xf32, #tpu.memory_space<vmem>>) offsets(%dma_start3A_16 : memref<128xi32, #tpu.memory_space<vmem>>) semaphore(%arg11 : memref<!tpu.dma_semaphore, #tpu.memory_space<semaphore_mem>>) {add = true}
    %scan3A_19 = arith.constant 0 : i32
    %scan3A_20 = arith.constant 0 : i32
    %scan3A_21 = arith.constant 99 : i32
    %scan3A_22 = arith.addi %scan3A_20, %scan3A_21 : i32
    %scan3A_23 = arith.constant 1 : i32
    scf.for %scan3A_148 = %scan3A_20 to %scan3A_22 step %scan3A_23  : i32 {
      %mul3A_149 = arith.constant 2 : i32
      %mul3A_150 = arith.muli %mul3A_149, %scan3A_148 : i32
      %add3A_151 = arith.constant 2 : i32
      %add3A_152 = arith.addi %mul3A_150, %add3A_151 : i32
      %dma_wait3A_153 = arith.constant 0 : i32
      %dma_wait3A_154 = tpu.memref_slice %arg5[%dma_wait3A_153] : memref<25600xi32, #tpu.memory_space<vmem>> -> memref<128xi32, #tpu.memory_space<vmem>>
      %dma_wait3A_155 = arith.constant 0 : i32
      %dma_wait3A_156 = tpu.memref_slice %arg9[%dma_wait3A_155] : memref<1000000xf32, #tpu.memory_space<vmem_shared>> -> memref<1000000xf32, #tpu.memory_space<vmem_shared>>
      tpu.wait_indirect_dma semaphore(%arg10 : memref<!tpu.dma_semaphore, #tpu.memory_space<semaphore_mem>>) src(%dma_wait3A_156 : memref<1000000xf32, #tpu.memory_space<vmem_shared>>) dst(%arg6 : memref<128xf32, #tpu.memory_space<vmem>>)
      %mul3A_157 = arith.constant 128 : i32
      %mul3A_158 = arith.muli %add3A_152, %mul3A_157 : i32
      %dma_start3A_159 = tpu.memref_slice %arg5[%mul3A_158] : memref<25600xi32, #tpu.memory_space<vmem>> -> memref<128xi32, #tpu.memory_space<vmem>>
      %dma_start3A_160 = arith.constant 0 : i32
      %dma_start3A_161 = tpu.memref_slice %arg9[%dma_start3A_160] : memref<1000000xf32, #tpu.memory_space<vmem_shared>> -> memref<1000000xf32, #tpu.memory_space<vmem_shared>>
      tpu.enqueue_indirect_dma source(%dma_start3A_161 : memref<1000000xf32, #tpu.memory_space<vmem_shared>>) target(%arg6 : memref<128xf32, #tpu.memory_space<vmem>>) offsets(%dma_start3A_159 : memref<128xi32, #tpu.memory_space<vmem>>) semaphore(%arg10 : memref<!tpu.dma_semaphore, #tpu.memory_space<semaphore_mem>>) {add = true}
      %dma_wait3A_162 = arith.constant 0 : i32
      %dma_wait3A_163 = tpu.memref_slice %arg5[%dma_wait3A_162] : memref<25600xi32, #tpu.memory_space<vmem>> -> memref<128xi32, #tpu.memory_space<vmem>>
      %dma_wait3A_164 = arith.constant 0 : i32
      %dma_wait3A_165 = tpu.memref_slice %arg9[%dma_wait3A_164] : memref<1000000xf32, #tpu.memory_space<vmem_shared>> -> memref<1000000xf32, #tpu.memory_space<vmem_shared>>
      tpu.wait_indirect_dma semaphore(%arg11 : memref<!tpu.dma_semaphore, #tpu.memory_space<semaphore_mem>>) src(%dma_wait3A_165 : memref<1000000xf32, #tpu.memory_space<vmem_shared>>) dst(%arg7 : memref<128xf32, #tpu.memory_space<vmem>>)
      %add3A_166 = arith.constant 1 : i32
      %add3A_167 = arith.addi %add3A_152, %add3A_166 : i32
      %mul3A_168 = arith.constant 128 : i32
      %mul3A_169 = arith.muli %add3A_167, %mul3A_168 : i32
      %dma_start3A_170 = tpu.memref_slice %arg5[%mul3A_169] : memref<25600xi32, #tpu.memory_space<vmem>> -> memref<128xi32, #tpu.memory_space<vmem>>
      %dma_start3A_171 = arith.constant 0 : i32
      %dma_start3A_172 = tpu.memref_slice %arg9[%dma_start3A_171] : memref<1000000xf32, #tpu.memory_space<vmem_shared>> -> memref<1000000xf32, #tpu.memory_space<vmem_shared>>
      tpu.enqueue_indirect_dma source(%dma_start3A_172 : memref<1000000xf32, #tpu.memory_space<vmem_shared>>) target(%arg7 : memref<128xf32, #tpu.memory_space<vmem>>) offsets(%dma_start3A_170 : memref<128xi32, #tpu.memory_space<vmem>>) semaphore(%arg11 : memref<!tpu.dma_semaphore, #tpu.memory_space<semaphore_mem>>) {add = true}
    }
    %scan3A_24 = arith.constant 99 : i32
    %dma_wait3A = arith.constant 0 : i32
    %dma_wait3A_25 = tpu.memref_slice %arg5[%dma_wait3A] : memref<25600xi32, #tpu.memory_space<vmem>> -> memref<128xi32, #tpu.memory_space<vmem>>
    %dma_wait3A_26 = arith.constant 0 : i32
    %dma_wait3A_27 = tpu.memref_slice %arg9[%dma_wait3A_26] : memref<1000000xf32, #tpu.memory_space<vmem_shared>> -> memref<1000000xf32, #tpu.memory_space<vmem_shared>>
    tpu.wait_indirect_dma semaphore(%arg10 : memref<!tpu.dma_semaphore, #tpu.memory_space<semaphore_mem>>) src(%dma_wait3A_27 : memref<1000000xf32, #tpu.memory_space<vmem_shared>>) dst(%arg6 : memref<128xf32, #tpu.memory_space<vmem>>)
    %dma_wait3A_28 = arith.constant 0 : i32
    %dma_wait3A_29 = tpu.memref_slice %arg5[%dma_wait3A_28] : memref<25600xi32, #tpu.memory_space<vmem>> -> memref<128xi32, #tpu.memory_space<vmem>>
    %dma_wait3A_30 = arith.constant 0 : i32
    %dma_wait3A_31 = tpu.memref_slice %arg9[%dma_wait3A_30] : memref<1000000xf32, #tpu.memory_space<vmem_shared>> -> memref<1000000xf32, #tpu.memory_space<vmem_shared>>
    tpu.wait_indirect_dma semaphore(%arg11 : memref<!tpu.dma_semaphore, #tpu.memory_space<semaphore_mem>>) src(%dma_wait3A_31 : memref<1000000xf32, #tpu.memory_space<vmem_shared>>) dst(%arg7 : memref<128xf32, #tpu.memory_space<vmem>>)
    %scan3A_32 = arith.constant 0 : i32
    %mul3A_33 = arith.constant 16 : i32
    %mul3A_34 = arith.muli %mul3A_33, %scan3A_32 : i32
    %get3A = arith.index_cast %mul3A_34 : i32 to index
    %get3A_35 = tpu.vector_load %arg6[%get3A] {strides = array<i32>} : memref<128xf32, #tpu.memory_space<vmem>>, vector<16xf32>,
    %get3A_36 = vector.shape_cast %get3A_35 : vector<16xf32> to vector<16xf32>
    %add3A_37 = arith.addf %broadcast_in_dim3A_5, %get3A_36 : vector<16xf32>
    %scan3A_38 = arith.constant 1 : i32
    %mul3A_39 = arith.constant 16 : i32
    %mul3A_40 = arith.muli %mul3A_39, %scan3A_38 : i32
    %get3A_41 = arith.index_cast %mul3A_40 : i32 to index
    %get3A_42 = tpu.vector_load %arg6[%get3A_41] {strides = array<i32>} : memref<128xf32, #tpu.memory_space<vmem>>, vector<16xf32>,
    %get3A_43 = vector.shape_cast %get3A_42 : vector<16xf32> to vector<16xf32>
    %add3A_44 = arith.addf %add3A_37, %get3A_43 : vector<16xf32>
    %scan3A_45 = arith.constant 2 : i32
    %mul3A_46 = arith.constant 16 : i32
    %mul3A_47 = arith.muli %mul3A_46, %scan3A_45 : i32
    %get3A_48 = arith.index_cast %mul3A_47 : i32 to index
    %get3A_49 = tpu.vector_load %arg6[%get3A_48] {strides = array<i32>} : memref<128xf32, #tpu.memory_space<vmem>>, vector<16xf32>,
    %get3A_50 = vector.shape_cast %get3A_49 : vector<16xf32> to vector<16xf32>
    %add3A_51 = arith.addf %add3A_44, %get3A_50 : vector<16xf32>
    %scan3A_52 = arith.constant 3 : i32
    %mul3A_53 = arith.constant 16 : i32
    %mul3A_54 = arith.muli %mul3A_53, %scan3A_52 : i32
    %get3A_55 = arith.index_cast %mul3A_54 : i32 to index
    %get3A_56 = tpu.vector_load %arg6[%get3A_55] {strides = array<i32>} : memref<128xf32, #tpu.memory_space<vmem>>, vector<16xf32>,
    %get3A_57 = vector.shape_cast %get3A_56 : vector<16xf32> to vector<16xf32>
    %add3A_58 = arith.addf %add3A_51, %get3A_57 : vector<16xf32>
    %scan3A_59 = arith.constant 4 : i32
    %mul3A_60 = arith.constant 16 : i32
    %mul3A_61 = arith.muli %mul3A_60, %scan3A_59 : i32
    %get3A_62 = arith.index_cast %mul3A_61 : i32 to index
    %get3A_63 = tpu.vector_load %arg6[%get3A_62] {strides = array<i32>} : memref<128xf32, #tpu.memory_space<vmem>>, vector<16xf32>,
    %get3A_64 = vector.shape_cast %get3A_63 : vector<16xf32> to vector<16xf32>
    %add3A_65 = arith.addf %add3A_58, %get3A_64 : vector<16xf32>
    %scan3A_66 = arith.constant 5 : i32
    %mul3A_67 = arith.constant 16 : i32
    %mul3A_68 = arith.muli %mul3A_67, %scan3A_66 : i32
    %get3A_69 = arith.index_cast %mul3A_68 : i32 to index
    %get3A_70 = tpu.vector_load %arg6[%get3A_69] {strides = array<i32>} : memref<128xf32, #tpu.memory_space<vmem>>, vector<16xf32>,
    %get3A_71 = vector.shape_cast %get3A_70 : vector<16xf32> to vector<16xf32>
    %add3A_72 = arith.addf %add3A_65, %get3A_71 : vector<16xf32>
    %scan3A_73 = arith.constant 6 : i32
    %mul3A_74 = arith.constant 16 : i32
    %mul3A_75 = arith.muli %mul3A_74, %scan3A_73 : i32
    %get3A_76 = arith.index_cast %mul3A_75 : i32 to index
    %get3A_77 = tpu.vector_load %arg6[%get3A_76] {strides = array<i32>} : memref<128xf32, #tpu.memory_space<vmem>>, vector<16xf32>,
    %get3A_78 = vector.shape_cast %get3A_77 : vector<16xf32> to vector<16xf32>
    %add3A_79 = arith.addf %add3A_72, %get3A_78 : vector<16xf32>
    %scan3A_80 = arith.constant 7 : i32
    %mul3A_81 = arith.constant 16 : i32
    %mul3A_82 = arith.muli %mul3A_81, %scan3A_80 : i32
    %get3A_83 = arith.index_cast %mul3A_82 : i32 to index
    %get3A_84 = tpu.vector_load %arg6[%get3A_83] {strides = array<i32>} : memref<128xf32, #tpu.memory_space<vmem>>, vector<16xf32>,
    %get3A_85 = vector.shape_cast %get3A_84 : vector<16xf32> to vector<16xf32>
    %add3A_86 = arith.addf %add3A_79, %get3A_85 : vector<16xf32>
    %scan3A_87 = arith.constant 8 : i32
    %scan3A_88 = arith.constant 0 : i32
    %mul3A_89 = arith.constant 16 : i32
    %mul3A_90 = arith.muli %mul3A_89, %scan3A_88 : i32
    %get3A_91 = arith.index_cast %mul3A_90 : i32 to index
    %get3A_92 = tpu.vector_load %arg7[%get3A_91] {strides = array<i32>} : memref<128xf32, #tpu.memory_space<vmem>>, vector<16xf32>,
    %get3A_93 = vector.shape_cast %get3A_92 : vector<16xf32> to vector<16xf32>
    %add3A_94 = arith.addf %add3A_86, %get3A_93 : vector<16xf32>
    %scan3A_95 = arith.constant 1 : i32
    %mul3A_96 = arith.constant 16 : i32
    %mul3A_97 = arith.muli %mul3A_96, %scan3A_95 : i32
    %get3A_98 = arith.index_cast %mul3A_97 : i32 to index
    %get3A_99 = tpu.vector_load %arg7[%get3A_98] {strides = array<i32>} : memref<128xf32, #tpu.memory_space<vmem>>, vector<16xf32>,
    %get3A_100 = vector.shape_cast %get3A_99 : vector<16xf32> to vector<16xf32>
    %add3A_101 = arith.addf %add3A_94, %get3A_100 : vector<16xf32>
    %scan3A_102 = arith.constant 2 : i32
    %mul3A_103 = arith.constant 16 : i32
    %mul3A_104 = arith.muli %mul3A_103, %scan3A_102 : i32
    %get3A_105 = arith.index_cast %mul3A_104 : i32 to index
    %get3A_106 = tpu.vector_load %arg7[%get3A_105] {strides = array<i32>} : memref<128xf32, #tpu.memory_space<vmem>>, vector<16xf32>,
    %get3A_107 = vector.shape_cast %get3A_106 : vector<16xf32> to vector<16xf32>
    %add3A_108 = arith.addf %add3A_101, %get3A_107 : vector<16xf32>
    %scan3A_109 = arith.constant 3 : i32
    %mul3A_110 = arith.constant 16 : i32
    %mul3A_111 = arith.muli %mul3A_110, %scan3A_109 : i32
    %get3A_112 = arith.index_cast %mul3A_111 : i32 to index
    %get3A_113 = tpu.vector_load %arg7[%get3A_112] {strides = array<i32>} : memref<128xf32, #tpu.memory_space<vmem>>, vector<16xf32>,
    %get3A_114 = vector.shape_cast %get3A_113 : vector<16xf32> to vector<16xf32>
    %add3A_115 = arith.addf %add3A_108, %get3A_114 : vector<16xf32>
    %scan3A_116 = arith.constant 4 : i32
    %mul3A_117 = arith.constant 16 : i32
    %mul3A_118 = arith.muli %mul3A_117, %scan3A_116 : i32
    %get3A_119 = arith.index_cast %mul3A_118 : i32 to index
    %get3A_120 = tpu.vector_load %arg7[%get3A_119] {strides = array<i32>} : memref<128xf32, #tpu.memory_space<vmem>>, vector<16xf32>,
    %get3A_121 = vector.shape_cast %get3A_120 : vector<16xf32> to vector<16xf32>
    %add3A_122 = arith.addf %add3A_115, %get3A_121 : vector<16xf32>
    %scan3A_123 = arith.constant 5 : i32
    %mul3A_124 = arith.constant 16 : i32
    %mul3A_125 = arith.muli %mul3A_124, %scan3A_123 : i32
    %get3A_126 = arith.index_cast %mul3A_125 : i32 to index
    %get3A_127 = tpu.vector_load %arg7[%get3A_126] {strides = array<i32>} : memref<128xf32, #tpu.memory_space<vmem>>, vector<16xf32>,
    %get3A_128 = vector.shape_cast %get3A_127 : vector<16xf32> to vector<16xf32>
    %add3A_129 = arith.addf %add3A_122, %get3A_128 : vector<16xf32>
    %scan3A_130 = arith.constant 6 : i32
    %mul3A_131 = arith.constant 16 : i32
    %mul3A_132 = arith.muli %mul3A_131, %scan3A_130 : i32
    %get3A_133 = arith.index_cast %mul3A_132 : i32 to index
    %get3A_134 = tpu.vector_load %arg7[%get3A_133] {strides = array<i32>} : memref<128xf32, #tpu.memory_space<vmem>>, vector<16xf32>,
    %get3A_135 = vector.shape_cast %get3A_134 : vector<16xf32> to vector<16xf32>
    %add3A_136 = arith.addf %add3A_129, %get3A_135 : vector<16xf32>
    %scan3A_137 = arith.constant 7 : i32
    %mul3A_138 = arith.constant 16 : i32
    %mul3A_139 = arith.muli %mul3A_138, %scan3A_137 : i32
    %get3A_140 = arith.index_cast %mul3A_139 : i32 to index
    %get3A_141 = tpu.vector_load %arg7[%get3A_140] {strides = array<i32>} : memref<128xf32, #tpu.memory_space<vmem>>, vector<16xf32>,
    %get3A_142 = vector.shape_cast %get3A_141 : vector<16xf32> to vector<16xf32>
    %add3A_143 = arith.addf %add3A_136, %get3A_142 : vector<16xf32>
    %scan3A_144 = arith.constant 8 : i32
    %swap3A = arith.constant 0 : index
    %swap3A_145 = tpu.vector_load %arg8[%swap3A] {strides = array<i32>} : memref<16xf32, #tpu.memory_space<vmem>>, vector<16xf32>,
    %swap3A_146 = vector.shape_cast %swap3A_145 : vector<16xf32> to vector<16xf32>
    %swap3A_147 = vector.shape_cast %add3A_143 : vector<16xf32> to vector<16xf32>
    tpu.vector_store %arg8[%swap3A], %swap3A_147 {strides = array<i32>} : memref<16xf32, #tpu.memory_space<vmem>>, vector<16xf32>,
    "tpu.region"() ({
      %run_scoped3A = tpu.sem_alloc : memref<!tpu.dma_semaphore, #tpu.memory_space<semaphore_mem>>
      %dma_start3A_148 = arith.constant 0 : i32
      %dma_start3A_149 = tpu.memref_slice %arg4[%add3A, %dma_start3A_148] : memref<32x16xf32, #tpu.memory_space<hbm>> -> memref<1x16xf32, #tpu.memory_space<hbm>>
      %dma_start3A_150 = tpu.memref_squeeze %dma_start3A_149 : memref<1x16xf32, #tpu.memory_space<hbm>> -> memref<16xf32, #tpu.memory_space<hbm>>
      %dma_start3A_151 = arith.constant 0 : i32
      %dma_start3A_152 = tpu.memref_slice %arg4[%add3A, %dma_start3A_151] : memref<32x16xf32, #tpu.memory_space<hbm>> -> memref<1x16xf32, #tpu.memory_space<hbm>>
      %dma_start3A_153 = tpu.memref_squeeze %dma_start3A_152 : memref<1x16xf32, #tpu.memory_space<hbm>> -> memref<16xf32, #tpu.memory_space<hbm>>
      tpu.enqueue_dma source(%arg8 : memref<16xf32, #tpu.memory_space<vmem>>) target(%dma_start3A_153 : memref<16xf32, #tpu.memory_space<hbm>>) target_semaphore(%run_scoped3A : memref<!tpu.dma_semaphore, #tpu.memory_space<semaphore_mem>>)
      %dma_wait3A_154 = arith.constant 0 : i32
      %dma_wait3A_155 = tpu.memref_slice %arg4[%add3A, %dma_wait3A_154] : memref<32x16xf32, #tpu.memory_space<hbm>> -> memref<1x16xf32, #tpu.memory_space<hbm>>
      %dma_wait3A_156 = tpu.memref_squeeze %dma_wait3A_155 : memref<1x16xf32, #tpu.memory_space<hbm>> -> memref<16xf32, #tpu.memory_space<hbm>>
      %dma_wait3A_157 = arith.constant 0 : i32
      %dma_wait3A_158 = tpu.memref_slice %arg4[%add3A, %dma_wait3A_157] : memref<32x16xf32, #tpu.memory_space<hbm>> -> memref<1x16xf32, #tpu.memory_space<hbm>>
      %dma_wait3A_159 = tpu.memref_squeeze %dma_wait3A_158 : memref<1x16xf32, #tpu.memory_space<hbm>> -> memref<16xf32, #tpu.memory_space<hbm>>
      tpu.wait_dma2 semaphore(%run_scoped3A : memref<!tpu.dma_semaphore, #tpu.memory_space<semaphore_mem>>) src(%arg8 : memref<16xf32, #tpu.memory_space<vmem>>) dst(%dma_wait3A_159 : memref<16xf32, #tpu.memory_space<hbm>>)
      tpu.yield
    }) : () -> ()
    return
  }
}

module attributes {stable_mosaic.version = 14 : i64} {
  func.func @_mv_body(%arg0: i32, %arg1: memref<1x32xf32, #tpu.memory_space<vmem>>, %arg2: memref<32x65536xf32, #tpu.memory_space<vmem>>, %arg3: memref<65536xf32, #tpu.memory_space<vmem>>) attributes {dimension_semantics = [#tpu.dimension_semantics<arbitrary>], iteration_bounds = array<i64: 16>, scalar_prefetch = 0 : i64, scratch_operands = 0 : i64, tpu.core_type = #tpu.core_type<tc>, window_params = [{pipeline_mode = #tpu.pipeline_mode<synchronous>, transform_indices = @transform_0, window_bounds = array<i64: 1, 32>}, {transform_indices = @transform_1, window_bounds = array<i64: 32, 65536>}, {transform_indices = @transform_2, window_bounds = array<i64: 65536>}]} {
    %get3A = arith.constant 0 : index
    %get3A_0 = arith.constant 0 : index
    %get3A_1 = vector.load %arg1[%get3A, %get3A_0] : memref<1x32xf32, #tpu.memory_space<vmem>>, vector<1x32xf32>
    %get3A_2 = arith.constant 0 : index
    %get3A_3 = arith.constant 0 : index
    %get3A_4 = vector.load %arg2[%get3A_2, %get3A_3] : memref<32x65536xf32, #tpu.memory_space<vmem>>, vector<32x65536xf32>
    %dot_general3A = arith.constant dense<0.000000e+00> : vector<1x65536xf32>
    %dot_general3A_5 = tpu.matmul %get3A_1, %get3A_4, %dot_general3A {dimension_numbers = #tpu.dot_dimension_numbers<[1], [0], [0], [1], [0, 0, 1, 1], [], []>, transpose_lhs_hint = false} : vector<1x32xf32>, vector<32x65536xf32>, vector<1x65536xf32> -> vector<1x65536xf32>
    %squeeze3A = vector.shape_cast %dot_general3A_5 : vector<1x65536xf32> to vector<65536xf32>
    %swap3A = arith.constant 0 : index
    %swap3A_6 = vector.load %arg3[%swap3A] : memref<65536xf32, #tpu.memory_space<vmem>>, vector<65536xf32>
    tpu.vector_store %arg3[%swap3A], %squeeze3A {strides = array<i32>} : memref<65536xf32, #tpu.memory_space<vmem>>, vector<65536xf32>,
    return
  }
  func.func @transform_0(%arg0: i32) -> (i32, i32) {
    %c0_i32 = arith.constant 0 : i32
    %c0_i32_0 = arith.constant 0 : i32
    %c0_i32_1 = arith.constant 0 : i32
    return %c0_i32, %c0_i32_0 : i32, i32
  }
  func.func @transform_1(%arg0: i32) -> (i32, i32) {
    %c0_i32 = arith.constant 0 : i32
    %c0_i32_0 = arith.constant 0 : i32
    return %c0_i32, %arg0 : i32, i32
  }
  func.func @transform_2(%arg0: i32) -> i32 {
    %c0_i32 = arith.constant 0 : i32
    return %arg0 : i32
  }
}

</mosaic_0001>

<sc_bundles>
// kernel: kernel.4.cloned.1.call-start
scs
__scs_entry_jumppad:
0x0: {  	(pc) =	sbr.rel $0x88, $3  }
0x1: {  	(tag) =	ssettag $0x0;
	lr =	simm.s32 $0x1  }
0x2: {  	[smem:$0x3F9D] =	sst lr;
	_ =	strace $0xD0000000  }
0x3: {  	_ = 	snop  }
0x4: {  	_ = 	snop  }
0x5: {  	_ = 	snop  }
0x6: {  	_ = 	snop  }
0x7: {  	_ = 	snop  }
__scs_overlays_trampoline_lowered:
0x8: {  	[smem:$0x3FAC] =	sst s0  }
0x9: {  	[smem:$0x3FAD] =	sst s1  }
0xa: {  	[smem:$0x3FAE] =	sst s2  }
0xb: {  	[smem:$0x3FAF] =	sst s3  }
0xc: {  	[smem:$0x3FB0] =	sst s4  }
0xd: {  	[smem:$0x3FB1] =	sst s5  }
0xe: {  	[smem:$0x3FB2] =	sst s6  }
0xf: {  	[smem:$0x3FB3] =	sst s7  }
0x10: {  	[smem:$0x3FB4] =	sst s8  }
0x11: {  	[smem:$0x3FB5] =	sst s9;
	s0 =	simm.s32 @!p0 $0x0  }
0x12: {  	s1 =	sld [smem:$0x3F9B];
	s0 =	simm.s32 @p0 $0x1  }
0x13: {  	[smem:$0x3FB6] =	sst s0;
	s0 =	simm.s32 @!p1 $0x0  }
0x14: {  	s2 =	sld [smem:$0x3F9A];
	s0 =	simm.s32 @p1 $0x1  }
0x15: {  	[smem:$0x3FB7] =	sst s0;
	s0 =	simm.s32 @!p2 $0x0  }
0x16: {  	s3 =	sld [smem:$0x3FDB];
	s0 =	simm.s32 @p2 $0x1  }
0x17: {  	s4 =	simm.s32 $0x1BF5;
	[smem:$0x3FB9] =	sst s0  }
0x18: {  	s0 =	sld [smem:$0x3F9C];
	_ =	swait.ge [sflag:s4], $0x0  }
0x19: {  	s7 =	sld [smem:$0x3F9D]  }
0x1a: {  	s8 =	sadd.s32 $0xFFFFE003, lr  }
0x1b: {  	s9 =	sadd.s32 $0xFFFFFEF7, lr;
	s5 =	simm.s32 $0xFFFFFFFF;
	p2 =	slt.u32 s8, $0xFFFFF086  }
0x1c: {  	p1 =	slt.u32 s9, $0xF7A;
	s5 =	simm.s32 @!p2 $0x0  }
0x1d: {  	s5 =	simm.s32 @p1 $0x1;
	p0 =	seq.s32 s7, s2  }
0x1e: {  	s7 =	smul.u32 @!p0 $0xF7A, s2;
	p2 =	seq.s32 @!p0 s5, $0x0  }
0x1f: {  	s9 =	smul.u32 $0xF7A, s1;
	s8 =	simm.s32 @!p0 $0x1BF5;
	p2 =	por !p2, p0  }
0x20: {  	[sflag:s8] =	ssyncset.s32 @!p0 $0xFFFFF086;
	s6 =	sadd.s32 @!p0 s3, s7;
	s7 =	simm.s32 @!p0 $0x108  }
0x21: {  	s3 =	sadd.s32 s3, s9;
	s6 =	sadd.s32 @!p0 $0x88, s6;
	s7 =	simm.s32 @p2 $0x1082  }
0x22: {  	[simem:s7], [sflag:s8] =	dma.local @!p0 [hbm:s6], $0xF7A  }
0x23: {  	s9 =	sor.u32 $0xD0000000, s2;
	s6 =	simm.s32 $0x108;
	_ =	swait.ge @!p0 [sflag:s8], $0x0  }
0x24: {  	s3 =	sadd.s32 $0x88, s3;
	s6 =	simm.s32 @!p1 $0x1082;
	[sflag:s4] =	ssyncset.s32 $0xFFFFF086  }
0x25: {  	[simem:s6], [sflag:s4] =	dma.local [hbm:s3], $0xF7A  }
0x26: {  	[smem:$0x3F9D] =	sst s1;
	(tag) =	ssettag s2;
	_ =	strace s9  }
0x27: {  	s1 =	sld [smem:$0x3FAD]  }
0x28: {  	s2 =	sld [smem:$0x3FAE]  }
0x29: {  	s4 =	sld [smem:$0x3FB0]  }
0x2a: {  	p0 =	seq.s32 s5, $0x0;
	s5 =	sld [smem:$0x3FB1]  }
0x2b: {  	s6 =	sld [smem:$0x3FB2]  }
0x2c: {  	s7 =	sld [smem:$0x3FB3]  }
0x2d: {  	s3 =	simm.s32 $0x108;
	s8 =	sld [smem:$0x3FB4]  }
0x2e: {  	s3 =	simm.s32 @!p0 $0x1082;
	s9 =	sld [smem:$0x3FB5]  }
0x2f: {  	lr =	sadd.s32 s0, s3;
	s0 =	sld [smem:$0x3FAC]  }
0x30: {  	s3 =	sld [smem:$0x3FAF]  }
0x31: {  	[smem:$0x3FB8] =	sst s10  }
0x32: {  	s10 =	sld [smem:$0x3FB6];
	_ =	sdelay $0x3  }
0x33: {  	p0 =	seq.s32 s10, $0x1;
	s10 =	sld [smem:$0x3FB8];
	_ =	sdelay $0x3  }
0x34: {  	[smem:$0x3FB8] =	sst s10  }
0x35: {  	s10 =	sld [smem:$0x3FB7];
	_ =	sdelay $0x3  }
0x36: {  	p1 =	seq.s32 s10, $0x1;
	s10 =	sld [smem:$0x3FB8];
	_ =	sdelay $0x3  }
0x37: {  	[smem:$0x3FB8] =	sst s10  }
0x38: {  	s10 =	sld [smem:$0x3FB9]  }
0x39: {  	_ = 	snop;
	(pc) =	sbr.ind lr, $3  }
0x3a: {  	_ = 	snop  }
0x3b: {  	_ = 	snop  }
0x3c: {  	p2 =	seq.s32 s10, $0x1;
	s10 =	sld [smem:$0x3FB8]  }
0x3d: {  	_ =	shalt  }
0x3e: {  	_ =	shalt  }
0x3f: {  	_ =	shalt  }
0x40: {  	_ =	shalt  }
0x41: {  	_ =	shalt  }
0x42: {  	_ =	shalt  }
0x43: {  	_ =	shalt  }
0x44: {  	_ =	shalt  }
0x45: {  	_ =	shalt  }
0x46: {  	_ =	shalt  }
0x47: {  	_ =	shalt  }
0x48: {  	_ =	shalt  }
0x49: {  	_ =	shalt  }
0x4a: {  	_ =	shalt  }
0x4b: {  	_ =	shalt  }
0x4c: {  	_ =	shalt  }
0x4d: {  	_ =	shalt  }
0x4e: {  	_ =	shalt  }
0x4f: {  	_ =	shalt  }
0x50: {  	_ =	shalt  }
0x51: {  	_ =	shalt  }
0x52: {  	_ =	shalt  }
0x53: {  	_ =	shalt  }
0x54: {  	_ =	shalt  }
0x55: {  	_ =	shalt  }
0x56: {  	_ =	shalt  }
0x57: {  	_ =	shalt  }
0x58: {  	_ =	shalt  }
0x59: {  	_ =	shalt  }
0x5a: {  	_ =	shalt  }
0x5b: {  	_ =	shalt  }
0x5c: {  	_ =	shalt  }
0x5d: {  	_ =	shalt  }
0x5e: {  	_ =	shalt  }
0x5f: {  	_ =	shalt  }
0x60: {  	_ =	shalt  }
0x61: {  	_ =	shalt  }
0x62: {  	_ =	shalt  }
0x63: {  	_ =	shalt  }
0x64: {  	_ =	shalt  }
0x65: {  	_ =	shalt  }
0x66: {  	_ =	shalt  }
0x67: {  	_ =	shalt  }
0x68: {  	_ =	shalt  }
0x69: {  	_ =	shalt  }
0x6a: {  	_ =	shalt  }
0x6b: {  	_ =	shalt  }
0x6c: {  	_ =	shalt  }
0x6d: {  	_ =	shalt  }
0x6e: {  	_ =	shalt  }
0x6f: {  	_ =	shalt  }
0x70: {  	_ =	shalt  }
0x71: {  	_ =	shalt  }
0x72: {  	_ =	shalt  }
0x73: {  	_ =	shalt  }
0x74: {  	_ =	shalt  }
0x75: {  	_ =	shalt  }
0x76: {  	_ =	shalt  }
0x77: {  	_ =	shalt  }
0x78: {  	_ =	shalt  }
0x79: {  	_ =	shalt  }
0x7a: {  	_ =	shalt  }
0x7b: {  	_ =	shalt  }
0x7c: {  	_ =	shalt  }
0x7d: {  	_ =	shalt  }
0x7e: {  	_ =	shalt  }
0x7f: {  	_ =	shalt  }
0x80: {  	_ =	shalt  }
0x81: {  	_ =	shalt  }
0x82: {  	_ =	shalt  }
0x83: {  	_ =	shalt  }
0x84: {  	_ =	shalt  }
0x85: {  	_ =	shalt  }
0x86: {  	_ =	shalt  }
0x87: {  	_ =	shalt  }
.Lfunc_end0:
.L_simem_size_0:
called_computation_lowered:
.L_overlay_start_0:
0x88: {  	s2 =	sld [smem:$0x3FD9]  }
0x89: {  	s3 =	sld [smem:$0x3FFE];
	_ =	sdelay $0x1  }
0x8a: {  	s1 =	srdreg.scid  }
0x8b: {  	s0 =	sand.u32 $0x1, s1  }
0x8c: {  	s16 =	sshll.u32 s0, $0xA;
	s2 =	sadd.s32 s3, s2  }
0x8d: {  	s2 =	sadd.s32 s2, s16  }
0x8e: {  	[smem:$0x3FC4] =	sst s2  }
0x8f: {  	_ = 	snop  }
0x90: {  	(tm) =	ssettm $0x1  }
0x91: {  	s17 =	sld [smem:$0x3FFB];
	_ =	sdelay $0x3  }
0x92: {  	_ =	strace s17  }
0x93: {  	s2 =	sld [smem:$0x3FFC];
	_ =	sdelay $0x3  }
0x94: {  	_ =	strace s2  }
0x95: {  	s2 =	sld [smem:$0x3FFD];
	_ =	sdelay $0x3  }
0x96: {  	_ =	strace s2  }
0x97: {  	_ =	strace $0x8FFFFFFF  }
0x98: {  	s18 =	sld [smem:$0x3FDB];
	_ =	sdelay $0x1  }
0x99: {  	s19 =	simm.s32 $_scs_section_size  }
0x9a: {  	s4 =	simm.s32 $_size__tile_overlayer_lowered;
	s5 =	simm.s32 $_tile_overlayer_lowered  }
0x9b: {  	s22 =	simm.s32 $0x1BFF;
	s21 =	sshll.u32 s5, $0x1;
	s2 =	sadd.s32 s19, s18  }
0x9c: {  	s6 =	simm.s32 $0x0;
	s20 =	sshll.u32 s4, $0x1;
	s4 =	sadd.s32 s21, s2  }
0x9d: {  	[timem:s6], [sflag:s22] =	dma.local [hbm:s4], s20  }
0x9e: {  	_ =	swait.ge [sflag:s22], s20  }
0x9f: {  	s3 =	ssub.s32 $0x0, s20;
	[sflag:s22] =	ssyncset.done $0x0  }
0xa0: {  	[sflag:s22] =	ssyncadd.s32 s3;
	_ =	sdelay $0x1  }
0xa1: {  	s23 =	simm.s32 $0x1B8B  }
0xa2: {  	_ =	swait.ge [sflag:s23], $0x1  }
0xa3: {  	[sflag:s23] =	ssyncset.done $0x0  }
0xa4: {  	s25 =	simm.s32 $0x1B8E;
	s24 =	sld [smem:$0x3FFE];
	[sflag:s23] =	ssyncadd.s32 $0xFFFFFFFF  }
0xa5: {  	s26 =	simm.s32 $execute0_lowered;
	[smem:$0x3FD2] =	sst s25  }
0xa6: {  	s4 =	sshll.u32 s26, $0x1;
	_ =	strace $0x80000046;
	[dreg:$0x1] =	wrdreg $0xFFFFFFFF  }
0xa7: {  	s28 =	simm.s32 $_size_execute0_lowered;
	s2 =	sadd.s32 s2, s4;
	[dreg:$0x0] =	wrdreg $0x0  }
0xa8: {  	s4 =	sshll.u32 s28, $0x1;
	[dreg:$0x2] =	wrdreg s2  }
0xa9: {  	[dreg:$0x3] =	wrdreg s4  }
0xaa: {  	[dreg:$0x4] =	wrdreg $0xC0  }
0xab: {  	_ =	task [dreg:s6], $0x5FFFF  }
0xac: {  	[dreg:$0x1] =	wrdreg $0xFFFFFFFF  }
0xad: {  	[dreg:$0x0] =	wrdreg $0x60  }
0xae: {  	[dreg:$0x2] =	wrdreg s24  }
0xaf: {  	[dreg:$0x3] =	wrdreg $0x65100  }
0xb0: {  	[dreg:$0x4] =	wrdreg $0x9  }
0xb1: {  	_ =	task.clear_ibuf [dreg:s6], $0x5FFFF;
	_ =	strace $0x90000046  }
0xb2: {  	s29 =	simm.s32 $0x9;
	_ =	strace $0x80000048  }
0xb3: {  	_ =	swait.ge [sflag:s29], $0x1  }
0xb4: {  	[sflag:s29] =	ssyncadd.s32 $0xFFFFFFFF  }
0xb5: {  	_ =	strace $0x90000048  }
0xb6: {  	_ =	sfence  }
0xb7: {  	s30 =	sld [smem:$0x0];
	_ =	sdelay $0x2  }
0xb8: {  	s31 =	sshll.u32 s1, $0xD;
	s1 =	sshrl.u32 s1, $0x2  }
0xb9: {  	s3 =	sand.u32 $0x4000, s31;
	s1 =	sadd.s32 s1, s30  }
0xba: {  	s0 =	sor.u32 s3, s0;
	s1 =	sshll.u32 s1, $0x11  }
0xbb: {  	s0 =	sor.u32 s1, s0  }
0xbc: {  	s0 =	sadd.s32 $0x8F2B, s0  }
0xbd: {  	[sflag:s0] =	ssyncadd.remote.s32 $0x1  }
0xbe: {  	_ =	sfence.sel $0xFFFF  }
0xbf: {  	[dreg:$0x0] =	wrdreg $0xFFFFFFFF;
	(pc) =	sbr.abs _section_cstart, $3  }
0xc0: {  	[dreg:$0x1] =	wrdreg $0xFFFFFFFF  }
0xc1: {  	_ =	task.clear_ibuf [dreg:s6], $0x2FFFF;
	_ =	strace $0x9FFFFFFF  }
0xc2: {  	(tm) =	ssettm $0x7FFFFFFF  }
0xc3: {  	_ =	shalt  }
tec
execute0_lowered:
.L_overlay_start_1:
0x0: {  	(tag) =	ssettag $0x1  }
0x1: {  	s1 =	srdreg.scid;
	s4 =	rddreg [dreg:$0x0]  }
0x2: {  	s0 =	stileid.u32;
	s2 =	rddreg [dreg:$0x1];
	s3 =	simm.s32 $0x0  }
0x3: {  	s12 =	simm.s32 $0x6400;
	s13 =	simm.s32 $0x6480;
	s14 =	simm.s32 $0x1  }
0x4: {  	s15 =	simm.s32 $0x2;
	s16 =	simm.s32 $0x6500;
	s17 =	simm.s32 $0x0  }
0x5: {  	s5 =	sand.u32 $0x1, s1;
	s30 =	sshll.u32 s0, $0x1;
	s1 =	rddreg [dreg:$0x2]  }
0x6: {  	[smem:$0x7FF] =	sst s3;
	s8 =	smul.u32 $0x1E848, s0;
	p0 =	sgt.u32 s0, $0x7  }
0x7: {  	s6 =	sor.u32 s5, s30;
	_ =	strace $0x80000047;
	s5 =	ssub.s32 $0x2, s5  }
0x8: {  	s7 =	smul.u32 $0xC80, s6;
	s9 =	sshrl.u32 s8, $0x3;
	s6 =	sshll.u32 s6, $0x1  }
0x9: {  	s31 =	sshrl.u32 s5, $0x1;
	s11 =	sadd.s32 s8, s2;
	s8 =	simm.s32 $0x3  }
0xa: {  	s9 =	sadd.s32 s9, s4;
	s6 =	sadd.s32 s6, s4;
	s10 =	ssub.s32 s5, s31  }
0xb: {  	s7 =	sadd.s32 s7, s4;
	s5 =	sadd.s32 $0x19400, s9;
	s6 =	sadd.s32 $0x37E00, s6  }
0xc: {  	s9 =	sshll.u32 @!p0 s0, $0x6;
	s4 =	sadd.s32 $0x400, s7;
	s7 =	smax.u32 s10, $0x1  }
0xd: {  	v0 =	vimm.f32 $0.0e+00;
	s9 =	sor.u32 @!p0 $0x1C03, s9;
	s10 =	sshrl.u32 @!p0 s11, $0x3;
	s11 =	simm.s32 $0x80  }
.LBB2_1:
0xe: {  	[tilespmem:s3], [sflag:$0x3] =	stream.linear.gather [hbm4b:s4+s3], $0x6400, $0x38;
	[tilespmem:$0x15938] =	vst v63  }
0xf: {  	_ =	swait.ge [sflag:s8], $0x6400  }
0x10: {  	[sflag:s8] =	ssyncset.done $0x0  }
0x11: {  	s18 =	simm.s32 @!p0 $0x3;
	[sflag:s8] =	ssyncadd.s32 $0xFFFF9C00  }
0x12: {  	[spmem:s10], [sflag:s9] =	dma.local @!p0 [hbm:s5], $0x3D09  }
0x13: {  	_ =	swait.ge @!p0 [sflag:s18], $0x3D09  }
0x14: {  	[sflag:s18] =	ssyncset.done @!p0 $0x0  }
0x15: {  	[sflag:s18] =	ssyncadd.s32 @!p0 $0xFFFFC2F7  }
0x16: {  	[bflag:$0x0] =	sbarrier.arrive $0xFFFF  }
0x17: {  	[tilespmem:$0x6400] =	vst v0  }
0x18: {  	[tilespmem:$0x6480] =	vst v0  }
0x19: {  	[tilespmem:$0x6410] =	vst v0  }
0x1a: {  	[tilespmem:$0x6490] =	vst v0  }
0x1b: {  	[tilespmem:$0x6420] =	vst v0  }
0x1c: {  	[tilespmem:$0x64A0] =	vst v0  }
0x1d: {  	[tilespmem:$0x6430] =	vst v0  }
0x1e: {  	[tilespmem:$0x64B0] =	vst v0  }
0x1f: {  	[tilespmem:$0x6440] =	vst v0  }
0x20: {  	[tilespmem:$0x64C0] =	vst v0  }
0x21: {  	[tilespmem:$0x6450] =	vst v0  }
0x22: {  	[tilespmem:$0x64D0] =	vst v0  }
0x23: {  	[tilespmem:$0x6460] =	vst v0  }
0x24: {  	[tilespmem:$0x64E0] =	vst v0  }
0x25: {  	[tilespmem:$0x6470] =	vst v0  }
0x26: {  	[tilespmem:$0x64F0] =	vst v0  }
0x27: {  	[tilespmem:s12], [sflag:$0x1] =	stream.indirect.gather.add.f32 [spmem:s2], $0x1, s3, s11, $0xb8;
	[tilespmem:$0x15938] =	vst v63  }
0x28: {  	_ = 	snop  }
0x29: {  	[tilespmem:s13], [sflag:$0x2] =	stream.indirect.gather.add.f32 [spmem:s2], $0x1, s11, s11, $0xb8;
	[tilespmem:$0x15938] =	vst v63  }
0x2a: {  	_ =	swait.ge [sflag:s14], $0x80  }
0x2b: {  	[sflag:s14] =	ssyncset.done $0x0  }
0x2c: {  	s31 =	simm.s32 $0x100;
	[sflag:s14] =	ssyncadd.s32 $0xFFFFFF80  }
0x2d: {  	[tilespmem:s12], [sflag:$0x1] =	stream.indirect.gather.add.f32 [spmem:s2], $0x1, s31, s11, $0xb8;
	[tilespmem:$0x15938] =	vst v63  }
0x2e: {  	_ =	swait.ge [sflag:s15], $0x80  }
0x2f: {  	[sflag:s15] =	ssyncset.done $0x0  }
0x30: {  	s19 =	simm.s32 $0x180;
	s18 =	simm.s32 $0xFFFE7800;
	[sflag:s15] =	ssyncadd.s32 $0xFFFFFF80  }
.LBB2_2:
0x31: {  	[tilespmem:s13], [sflag:$0x2] =	stream.indirect.gather.add.f32 [spmem:s2], $0x1, s19, s11, $0xb8;
	[tilespmem:$0x15938] =	vst v63  }
0x32: {  	s19 =	smov.u32 s18  }
0x33: {  	p1 =	sne.s32 s18, $0xFFFFFC00;
	s18 =	sadd.s32 $0x400, s18;
	_ =	swait.ge [sflag:s14], $0x80  }
0x34: {  	s19 =	sshra.s32 s19, $0x2;
	[sflag:s14] =	ssyncset.done $0x0  }
.Ltmp0:
0x35: {  	s20 =	sadd.s32 $0x6400, s19;
	[sflag:s14] =	ssyncadd.s32 $0xFFFFFF80;
	(pc) =	sbr.rel @p1 .LBB2_2-.Ltmp0, $4  }
0x36: {  	[tilespmem:s12], [sflag:$0x1] =	stream.indirect.gather.add.f32 [spmem:s2], $0x1, s20, s11, $0xb8;
	[tilespmem:$0x15938] =	vst v63  }
0x37: {  	_ =	swait.ge [sflag:s15], $0x80  }
0x38: {  	[sflag:s15] =	ssyncset.done $0x0  }
0x39: {  	s19 =	sadd.s32 $0x6480, s19;
	[sflag:s15] =	ssyncadd.s32 $0xFFFFFF80  }
0x3a: {  	[tilespmem:s13], [sflag:$0x2] =	stream.indirect.gather.add.f32 [spmem:s2], $0x1, s19, s11, $0xb8;
	[tilespmem:$0x15938] =	vst v63  }
0x3b: {  	_ =	swait.ge [sflag:s14], $0x80  }
0x3c: {  	[sflag:s14] =	ssyncset.done $0x0  }
0x3d: {  	[sflag:s14] =	ssyncadd.s32 $0xFFFFFF80  }
0x3e: {  	_ =	swait.ge [sflag:s15], $0x80  }
0x3f: {  	[sflag:s15] =	ssyncset.done $0x0  }
0x40: {  	[sflag:s15] =	ssyncadd.s32 $0xFFFFFF80  }
0x41: {  	v1 =	vld [tilespmem:$0x6400];
	_ =	sdelay $0x1  }
0x42: {  	v2 =	vld [tilespmem:$0x6410];
	_ =	sdelay $0x1  }
0x43: {  	v3 =	vld [tilespmem:$0x6420]  }
0x44: {  	v1 =	vadd.f32 $0.0e+00, v1  }
0x45: {  	v4 =	vld [tilespmem:$0x6430]  }
0x46: {  	v1 =	vadd.f32 v2, v1  }
0x47: {  	v2 =	vld [tilespmem:$0x6440]  }
0x48: {  	v1 =	vadd.f32 v3, v1  }
0x49: {  	v3 =	vld [tilespmem:$0x6450]  }
0x4a: {  	v1 =	vadd.f32 v4, v1  }
0x4b: {  	v60 =	vld [tilespmem:$0x6460]  }
0x4c: {  	v1 =	vadd.f32 v2, v1  }
0x4d: {  	v2 =	vld [tilespmem:$0x6470]  }
0x4e: {  	v1 =	vadd.f32 v3, v1  }
0x4f: {  	v3 =	vld [tilespmem:$0x6480]  }
0x50: {  	v1 =	vadd.f32 v60, v1  }
0x51: {  	v61 =	vld [tilespmem:$0x6490]  }
0x52: {  	v1 =	vadd.f32 v2, v1  }
0x53: {  	v2 =	vld [tilespmem:$0x64A0]  }
0x54: {  	v1 =	vadd.f32 v3, v1  }
0x55: {  	v3 =	vld [tilespmem:$0x64B0]  }
0x56: {  	v1 =	vadd.f32 v61, v1  }
0x57: {  	v62 =	vld [tilespmem:$0x64C0]  }
0x58: {  	v1 =	vadd.f32 v2, v1  }
0x59: {  	v2 =	vld [tilespmem:$0x64D0]  }
0x5a: {  	v1 =	vadd.f32 v3, v1  }
0x5b: {  	v3 =	vld [tilespmem:$0x64E0]  }
0x5c: {  	v1 =	vadd.f32 v62, v1  }
0x5d: {  	v63 =	vld [tilespmem:$0x64F0]  }
0x5e: {  	v1 =	vadd.f32 v2, v1;
	_ =	sdelay $0x1  }
0x5f: {  	v1 =	vadd.f32 v3, v1;
	_ =	sdelay $0x1  }
0x60: {  	s17 =	sadd.s32 $0x1, s17;
	v1 =	vadd.f32 v63, v1  }
0x61: {  	p1 =	sne.s32 s17, s7  }
.Ltmp1:
0x62: {  	[tilespmem:$0x6500] =	vst v1;
	(pc) =	sbr.rel @p1 .LBB2_1-.Ltmp1, $4  }
0x63: {  	[hbm4b:s6+s3] =	stream.linear.scatter [tilespmem:s16], [sflag:$0x3], $0x10, $0x38;
	[tilespmem:$0x15938] =	vst v63  }
0x64: {  	_ =	swait.ge [sflag:s8], $0x10  }
0x65: {  	[sflag:s8] =	ssyncset.done $0x0  }
0x66: {  	[sflag:s8] =	ssyncadd.s32 $0xFFFFFFF0  }
0x67: {  	_ =	sfence.sel $0x180000  }
0x68: {  	[bflag:$0x0] =	sbarrier.arrive $0xFFFF  }
0x69: {  	p0 =	sne.s32 s0, $0x0;
	_ =	strace $0x90000047  }
0x6a: {  	s0 =	sadd.s32 @!p0 $0x100000, s1;
	[bflag:$0x2] =	sbarrier.arrive $0xFFFF  }
0x6b: {  	[sflag:s0] =	ssyncadd.tile.s32 @!p0 $0x1;
	_ =	shalt  }
.Lfunc_end2:
_tile_overlayer_lowered:
.L_overlay_start_2:
0x6c: {  	(tag) =	ssettag $0x2  }
0x6d: {  	s0 =	rddreg [dreg:$0x0];
	s2 =	stileid.u32  }
0x6e: {  	s1 =	rddreg [dreg:$0x1];
	p0 =	sne.s32 s2, $0x0  }
0x6f: {  	s3 =	rddreg [dreg:$0x2];
	[bflag:$0x3] =	sbarrier.arrive $0xFFFF;
	s2 =	simm.s32 @!p0 $0x1C03  }
0x70: {  	[timem:s3], [sflag:s2] =	dma.local @!p0 [hbm:s0], s1  }
0x71: {  	s0 =	simm.s32 @!p0 $0x3  }
0x72: {  	_ =	swait.ge @!p0 [sflag:s0], s1  }
0x73: {  	s1 =	ssub.s32 @!p0 $0x0, s1;
	[sflag:s0] =	ssyncset.done @!p0 $0x0  }
0x74: {  	[sflag:s0] =	ssyncadd.s32 @!p0 s1  }
0x75: {  	[bflag:$0x3] =	sbarrier.arrive $0xFFFF  }
0x76: {  	_ =	shalt  }

</sc_bundles>
